<compile_context>
chip_gen: v7x
topology: tpu7x:2x2x1
jax: 0.10.2.dev20260603
libtpu: 0.0.44.dev20260713+nightly
codegen_flags: <defaults>
</compile_context>

<pallas_src>
import jax
import jax.numpy as jnp
from jax import lax
from jax.experimental import pallas as pl
from jax.experimental.pallas import tpu as pltpu

_NP = 196
_KEEP = 98
_NW = 14
_KH = _KW = 16
_F = _KH * _KW


def _body(cnt_ref, pw_ref, pp_ref, x_ref, o_ref, sem):
    bi = pl.program_id(0)
    ri = pl.program_id(1)
    n = cnt_ref[bi, ri]

    def _start(k, carry):
        pw = pw_ref[bi, ri, k]
        p = pp_ref[bi, ri, k]
        pltpu.make_async_copy(
            x_ref.at[0, 0, :, pl.ds(pw * _KW, _KW), :],
            o_ref.at[bi, :, :, p, :],
            sem).start()
        return carry

    lax.fori_loop(0, n, _start, 0)

    def _wait(k, carry):
        pltpu.make_async_copy(
            x_ref.at[0, 0, :, pl.ds(0, _KW), :],
            o_ref.at[bi, :, :, 0, :],
            sem).wait()
        return carry

    lax.fori_loop(0, n, _wait, 0)


def kernel(x):
    b, c, h, w = x.shape
    idx_key = jax.random.fold_in(jax.random.key(0), 1)
    scores = jax.random.uniform(idx_key, (b, _NP))
    index = jnp.argsort(scores, axis=1)[:, :_KEEP].astype(jnp.int32)
    ph, pw = index // _NW, index % _NW

    counts = jnp.sum(ph[:, None, :] == jnp.arange(_NW)[None, :, None],
                     axis=2).astype(jnp.int32)
    starts = jnp.concatenate(
        [jnp.zeros((b, 1), jnp.int32), jnp.cumsum(counts, axis=1)[:, :-1]],
        axis=1)
    order = jnp.argsort(ph, axis=1, stable=True).astype(jnp.int32)
    ph_s = jnp.take_along_axis(ph, order, axis=1)
    pw_s = jnp.take_along_axis(pw, order, axis=1)
    si = jnp.arange(_KEEP)[None, :]
    rank = (si - jnp.take_along_axis(starts, ph_s, axis=1)).astype(jnp.int32)
    bidx = jnp.arange(b)[:, None]
    pw_pad = jnp.zeros((b, _NW, _NW), jnp.int32).at[bidx, ph_s, rank].set(pw_s)
    pp_pad = jnp.zeros((b, _NW, _NW), jnp.int32).at[bidx, ph_s, rank].set(order)

    xt = jnp.transpose(x, (0, 2, 3, 1))
    xt5 = xt.reshape(b, _NW, _KH, w, c)

    grid_spec = pltpu.PrefetchScalarGridSpec(
        num_scalar_prefetch=3,
        grid=(b, _NW),
        in_specs=[
            pl.BlockSpec(
                (1, 1, _KH, w, c),
                lambda bi, ri, cnt, pwp, ppp: (bi, ri, 0, 0, 0),
            )
        ],
        out_specs=pl.BlockSpec(memory_space=pltpu.MemorySpace.HBM),
        scratch_shapes=[pltpu.SemaphoreType.DMA],
    )
    out5 = pl.pallas_call(
        _body,
        grid_spec=grid_spec,
        out_shape=jax.ShapeDtypeStruct((b, _KH, _KW, _KEEP, c), jnp.float32),
    )(counts, pw_pad, pp_pad, xt5)
    return out5.reshape(b, _F * _KEEP, c)

# --- scband reference (transcript-rebuilt; emitter-appended) ---
"""Pipeline reference for scband-patch-dropout-87857851007382 (READ-ONLY COPY).

The authoritative reference and input builder live on the scoring server;
editing this copy changes nothing except your own understanding.
"""

import jax, jax.numpy as jnp
import numpy as np

C_PATCH_NUMS = 196
C_DROPOUT_R = 0.5
KH, KW = 16, 16


def setup_inputs(seed: int = 0) -> dict:
    key = jax.random.key(seed)
    x = jax.random.normal(key, (4, 384, 224, 224), dtype=jnp.float32)
    return {"x": x}


def reference(x):
    # padding=False, so the Padding step is skipped (padding_size < kernel_size per the buggy assert)
    b, c, h, w = x.shape
    nh, nw = h // KH, w // KW
    feats_in_one_kernel = KH * KW
    patch_nums = nh * nw
    assert patch_nums == C_PATCH_NUMS
    # F.unfold with kernel_size == stride (non-overlapping) == block reshape.
    # unfold output[b, c*feats + (i*KW+j), ph*nw+pw] = x[b, c, ph*KH+i, pw*KW+j]
    xu = x.reshape(b, c, nh, KH, nw, KW)
    xu = jnp.transpose(xu, (0, 1, 3, 5, 2, 4))
    xu = xu.reshape(b, c, feats_in_one_kernel, patch_nums)
    # Patch_Dropout: sample `undropped_nums` distinct patch indices uniformly per batch element
    # (torch.multinomial on uniform probs without replacement == random permutation prefix)
    undropped_nums = C_PATCH_NUMS - int(patch_nums * C_DROPOUT_R)
    idx_key = jax.random.fold_in(jax.random.key(0), 1)
    scores = jax.random.uniform(idx_key, (b, patch_nums))
    index = jnp.argsort(scores, axis=1)[:, :undropped_nums]  # int32 [b, undropped]
    # x.gather(3, index) with index broadcast over (c, feats) dims
    xg = jnp.take_along_axis(xu, index[:, None, None, :], axis=3)
    xg = xg.reshape(b, c, -1)
    out = jnp.transpose(xg, (0, 2, 1))
    return out

if __name__ == "__main__":
    import jax
    _d = setup_inputs()
    print(jax.jit(kernel)(*tuple(_d.values())))

</pallas_src>

<mosaic_0001>
module attributes {stable_mosaic.version = 14 : i64} {
  func.func @_body(%arg0: i32, %arg1: i32, %arg2: memref<4x14xi32, #tpu.memory_space<smem>>, %arg3: memref<4x14x14xi32, #tpu.memory_space<smem>>, %arg4: memref<4x14x14xi32, #tpu.memory_space<smem>>, %arg5: memref<1x1x16x224x384xf32, #tpu.memory_space<vmem>>, %arg6: memref<4x16x16x98x384xf32, #tpu.memory_space<hbm>>, %arg7: memref<!tpu.dma_semaphore, #tpu.memory_space<semaphore_mem>>) attributes {dimension_semantics = [#tpu.dimension_semantics<arbitrary>, #tpu.dimension_semantics<arbitrary>], iteration_bounds = array<i64: 4, 14>, scalar_prefetch = 3 : i64, scratch_operands = 1 : i64, tpu.core_type = #tpu.core_type<tc>, window_params = [{transform_indices = @transform_0, window_bounds = array<i64: 1, 1, 16, 224, 384>}, {}]} {
    %get3A = arith.index_cast %arg0 : i32 to index
    %get3A_0 = arith.index_cast %arg1 : i32 to index
    %get3A_1 = memref.load %arg2[%get3A, %get3A_0] : memref<4x14xi32, #tpu.memory_space<smem>>
    %while3A = arith.constant 0 : i32
    %while3A_2 = arith.constant 0 : i32
    %while3A_3 = arith.subi %get3A_1, %while3A_2 : i32
    %while3A_4 = arith.addi %while3A_2, %while3A_3 : i32
    %while3A_5 = arith.constant 1 : i32
    %while3A_6 = arith.divsi %while3A_3, %while3A_5 : i32
    %while3A_7 = arith.muli %while3A_6, %while3A_5 : i32
    %while3A_8 = arith.addi %while3A_2, %while3A_7 : i32
    %while3A_9 = arith.constant 1 : i32
    scf.for %while3A_21 = %while3A_2 to %while3A_8 step %while3A_9  : i32 {
      %get3A_22 = arith.index_cast %arg0 : i32 to index
      %get3A_23 = arith.index_cast %arg1 : i32 to index
      %get3A_24 = arith.index_cast %while3A_21 : i32 to index
      %get3A_25 = memref.load %arg3[%get3A_22, %get3A_23, %get3A_24] : memref<4x14x14xi32, #tpu.memory_space<smem>>
      %get3A_26 = arith.index_cast %arg0 : i32 to index
      %get3A_27 = arith.index_cast %arg1 : i32 to index
      %get3A_28 = arith.index_cast %while3A_21 : i32 to index
      %get3A_29 = memref.load %arg4[%get3A_26, %get3A_27, %get3A_28] : memref<4x14x14xi32, #tpu.memory_space<smem>>
      %mul3A = arith.constant 16 : i32
      %mul3A_30 = arith.muli %get3A_25, %mul3A : i32
      %dma_start3A = arith.constant 0 : i32
      %dma_start3A_31 = arith.constant 0 : i32
      %dma_start3A_32 = arith.constant 0 : i32
      %dma_start3A_33 = arith.constant 0 : i32
      %dma_start3A_34 = arith.constant 0 : i32
      %dma_start3A_35 = tpu.memref_slice %arg6[%arg0, %dma_start3A_32, %dma_start3A_33, %get3A_29, %dma_start3A_34] : memref<4x16x16x98x384xf32, #tpu.memory_space<hbm>> -> memref<1x16x16x1x384xf32, #tpu.memory_space<hbm>>
      %dma_start3A_36 = tpu.memref_squeeze %dma_start3A_35 : memref<1x16x16x1x384xf32, #tpu.memory_space<hbm>> -> memref<16x16x384xf32, #tpu.memory_space<hbm>>
      %dma_start3A_37 = arith.constant 0 : i32
      %dma_start3A_38 = arith.constant 0 : i32
      %dma_start3A_39 = tpu.memref_slice %arg5[%dma_start3A, %dma_start3A_31, %dma_start3A_37, %mul3A_30, %dma_start3A_38] : memref<1x1x16x224x384xf32, #tpu.memory_space<vmem>> -> memref<1x1x16x16x384xf32, #tpu.memory_space<vmem>>
      %dma_start3A_40 = tpu.memref_squeeze %dma_start3A_39 : memref<1x1x16x16x384xf32, #tpu.memory_space<vmem>> -> memref<16x16x384xf32, #tpu.memory_space<vmem>>
      tpu.enqueue_dma source(%dma_start3A_40 : memref<16x16x384xf32, #tpu.memory_space<vmem>>) target(%dma_start3A_36 : memref<16x16x384xf32, #tpu.memory_space<hbm>>) target_semaphore(%arg7 : memref<!tpu.dma_semaphore, #tpu.memory_space<semaphore_mem>>)
    }
    %while3A_10 = arith.constant 1 : i32
    scf.for %while3A_21 = %while3A_8 to %while3A_4 step %while3A_10  : i32 {
      %get3A_22 = arith.index_cast %arg0 : i32 to index
      %get3A_23 = arith.index_cast %arg1 : i32 to index
      %get3A_24 = arith.index_cast %while3A_21 : i32 to index
      %get3A_25 = memref.load %arg3[%get3A_22, %get3A_23, %get3A_24] : memref<4x14x14xi32, #tpu.memory_space<smem>>
      %get3A_26 = arith.index_cast %arg0 : i32 to index
      %get3A_27 = arith.index_cast %arg1 : i32 to index
      %get3A_28 = arith.index_cast %while3A_21 : i32 to index
      %get3A_29 = memref.load %arg4[%get3A_26, %get3A_27, %get3A_28] : memref<4x14x14xi32, #tpu.memory_space<smem>>
      %mul3A = arith.constant 16 : i32
      %mul3A_30 = arith.muli %get3A_25, %mul3A : i32
      %dma_start3A = arith.constant 0 : i32
      %dma_start3A_31 = arith.constant 0 : i32
      %dma_start3A_32 = arith.constant 0 : i32
      %dma_start3A_33 = arith.constant 0 : i32
      %dma_start3A_34 = arith.constant 0 : i32
      %dma_start3A_35 = tpu.memref_slice %arg6[%arg0, %dma_start3A_32, %dma_start3A_33, %get3A_29, %dma_start3A_34] : memref<4x16x16x98x384xf32, #tpu.memory_space<hbm>> -> memref<1x16x16x1x384xf32, #tpu.memory_space<hbm>>
      %dma_start3A_36 = tpu.memref_squeeze %dma_start3A_35 : memref<1x16x16x1x384xf32, #tpu.memory_space<hbm>> -> memref<16x16x384xf32, #tpu.memory_space<hbm>>
      %dma_start3A_37 = arith.constant 0 : i32
      %dma_start3A_38 = arith.constant 0 : i32
      %dma_start3A_39 = tpu.memref_slice %arg5[%dma_start3A, %dma_start3A_31, %dma_start3A_37, %mul3A_30, %dma_start3A_38] : memref<1x1x16x224x384xf32, #tpu.memory_space<vmem>> -> memref<1x1x16x16x384xf32, #tpu.memory_space<vmem>>
      %dma_start3A_40 = tpu.memref_squeeze %dma_start3A_39 : memref<1x1x16x16x384xf32, #tpu.memory_space<vmem>> -> memref<16x16x384xf32, #tpu.memory_space<vmem>>
      tpu.enqueue_dma source(%dma_start3A_40 : memref<16x16x384xf32, #tpu.memory_space<vmem>>) target(%dma_start3A_36 : memref<16x16x384xf32, #tpu.memory_space<hbm>>) target_semaphore(%arg7 : memref<!tpu.dma_semaphore, #tpu.memory_space<semaphore_mem>>)
    }
    %while3A_11 = arith.constant 0 : i32
    %while3A_12 = arith.constant 0 : i32
    %while3A_13 = arith.subi %get3A_1, %while3A_12 : i32
    %while3A_14 = arith.addi %while3A_12, %while3A_13 : i32
    %while3A_15 = arith.constant 1 : i32
    %while3A_16 = arith.divsi %while3A_13, %while3A_15 : i32
    %while3A_17 = arith.muli %while3A_16, %while3A_15 : i32
    %while3A_18 = arith.addi %while3A_12, %while3A_17 : i32
    %while3A_19 = arith.constant 1 : i32
    scf.for %while3A_21 = %while3A_12 to %while3A_18 step %while3A_19  : i32 {
      %dma_wait3A = arith.constant 0 : i32
      %dma_wait3A_22 = arith.constant 0 : i32
      %dma_wait3A_23 = arith.constant 0 : i32
      %dma_wait3A_24 = arith.constant 0 : i32
      %dma_wait3A_25 = arith.constant 0 : i32
      %dma_wait3A_26 = arith.constant 0 : i32
      %dma_wait3A_27 = tpu.memref_slice %arg6[%arg0, %dma_wait3A_24, %dma_wait3A_25, %dma_wait3A_23, %dma_wait3A_26] : memref<4x16x16x98x384xf32, #tpu.memory_space<hbm>> -> memref<1x16x16x1x384xf32, #tpu.memory_space<hbm>>
      %dma_wait3A_28 = tpu.memref_squeeze %dma_wait3A_27 : memref<1x16x16x1x384xf32, #tpu.memory_space<hbm>> -> memref<16x16x384xf32, #tpu.memory_space<hbm>>
      %dma_wait3A_29 = arith.constant 0 : i32
      %dma_wait3A_30 = arith.constant 0 : i32
      %dma_wait3A_31 = arith.constant 0 : i32
      %dma_wait3A_32 = tpu.memref_slice %arg5[%dma_wait3A, %dma_wait3A_22, %dma_wait3A_29, %dma_wait3A_30, %dma_wait3A_31] : memref<1x1x16x224x384xf32, #tpu.memory_space<vmem>> -> memref<1x1x16x16x384xf32, #tpu.memory_space<vmem>>
      %dma_wait3A_33 = tpu.memref_squeeze %dma_wait3A_32 : memref<1x1x16x16x384xf32, #tpu.memory_space<vmem>> -> memref<16x16x384xf32, #tpu.memory_space<vmem>>
      tpu.wait_dma2 semaphore(%arg7 : memref<!tpu.dma_semaphore, #tpu.memory_space<semaphore_mem>>) src(%dma_wait3A_33 : memref<16x16x384xf32, #tpu.memory_space<vmem>>) dst(%dma_wait3A_28 : memref<16x16x384xf32, #tpu.memory_space<hbm>>)
    }
    %while3A_20 = arith.constant 1 : i32
    scf.for %while3A_21 = %while3A_18 to %while3A_14 step %while3A_20  : i32 {
      %dma_wait3A = arith.constant 0 : i32
      %dma_wait3A_22 = arith.constant 0 : i32
      %dma_wait3A_23 = arith.constant 0 : i32
      %dma_wait3A_24 = arith.constant 0 : i32
      %dma_wait3A_25 = arith.constant 0 : i32
      %dma_wait3A_26 = arith.constant 0 : i32
      %dma_wait3A_27 = tpu.memref_slice %arg6[%arg0, %dma_wait3A_24, %dma_wait3A_25, %dma_wait3A_23, %dma_wait3A_26] : memref<4x16x16x98x384xf32, #tpu.memory_space<hbm>> -> memref<1x16x16x1x384xf32, #tpu.memory_space<hbm>>
      %dma_wait3A_28 = tpu.memref_squeeze %dma_wait3A_27 : memref<1x16x16x1x384xf32, #tpu.memory_space<hbm>> -> memref<16x16x384xf32, #tpu.memory_space<hbm>>
      %dma_wait3A_29 = arith.constant 0 : i32
      %dma_wait3A_30 = arith.constant 0 : i32
      %dma_wait3A_31 = arith.constant 0 : i32
      %dma_wait3A_32 = tpu.memref_slice %arg5[%dma_wait3A, %dma_wait3A_22, %dma_wait3A_29, %dma_wait3A_30, %dma_wait3A_31] : memref<1x1x16x224x384xf32, #tpu.memory_space<vmem>> -> memref<1x1x16x16x384xf32, #tpu.memory_space<vmem>>
      %dma_wait3A_33 = tpu.memref_squeeze %dma_wait3A_32 : memref<1x1x16x16x384xf32, #tpu.memory_space<vmem>> -> memref<16x16x384xf32, #tpu.memory_space<vmem>>
      tpu.wait_dma2 semaphore(%arg7 : memref<!tpu.dma_semaphore, #tpu.memory_space<semaphore_mem>>) src(%dma_wait3A_33 : memref<16x16x384xf32, #tpu.memory_space<vmem>>) dst(%dma_wait3A_28 : memref<16x16x384xf32, #tpu.memory_space<hbm>>)
    }
    return
  }
  func.func @transform_0(%arg0: i32, %arg1: i32, %arg2: memref<4x14xi32, #tpu.memory_space<smem>>, %arg3: memref<4x14x14xi32, #tpu.memory_space<smem>>, %arg4: memref<4x14x14xi32, #tpu.memory_space<smem>>) -> (i32, i32, i32, i32, i32) {
    %c0_i32 = arith.constant 0 : i32
    %c0_i32_0 = arith.constant 0 : i32
    %c0_i32_1 = arith.constant 0 : i32
    %c0_i32_2 = arith.constant 0 : i32
    return %arg0, %arg1, %c0_i32, %c0_i32_0, %c0_i32_1 : i32, i32, i32, i32, i32
  }
}

</mosaic_0001>

<sc_bundles>
// kernel: sparse-core-data-format-call.cloned.1.call-start
scs
called_computation_lowered:
.L_overlay_start_0:
0x0: {  	s2 =	sld [smem:$0x3FD9]  }
0x1: {  	s3 =	sld [smem:$0x3FFE];
	_ =	sdelay $0x1  }
0x2: {  	s1 =	srdreg.scid  }
0x3: {  	s0 =	sand.u32 $0x1, s1  }
0x4: {  	s18 =	sshll.u32 s0, $0xA;
	s2 =	sadd.s32 s3, s2  }
0x5: {  	s2 =	sadd.s32 s2, s18  }
0x6: {  	[smem:$0x3FC7] =	sst s2  }
0x7: {  	_ = 	snop  }
0x8: {  	s2 =	sld [smem:$0x3FD0];
	(tm) =	ssettm $0x1  }
0x9: {  	s19 =	sld [smem:$0x3FFB];
	_ =	sdelay $0x3  }
0xa: {  	_ =	strace s19  }
0xb: {  	s3 =	sld [smem:$0x3FFC];
	_ =	sdelay $0x3  }
0xc: {  	_ =	strace s3  }
0xd: {  	s3 =	sld [smem:$0x3FFD];
	_ =	sdelay $0x3  }
0xe: {  	_ =	strace s3  }
0xf: {  	_ =	strace $0x8FFFFFFF  }
0x10: {  	s20 =	sld [smem:$0x3FDB];
	_ =	sdelay $0x1  }
0x11: {  	s4 =	simm.s32 $_scs_section_size  }
0x12: {  	s5 =	simm.s32 $_size__tile_overlayer_lowered;
	s6 =	simm.s32 $_tile_overlayer_lowered  }
0x13: {  	s23 =	simm.s32 $0x1BFF;
	s22 =	sshll.u32 s6, $0x1;
	s3 =	sadd.s32 s4, s20  }
0x14: {  	s7 =	simm.s32 $0x0;
	s21 =	sshll.u32 s5, $0x1;
	s5 =	sadd.s32 s22, s3  }
0x15: {  	[timem:s7], [sflag:s23] =	dma.local [hbm:s5], s21  }
0x16: {  	_ =	swait.ge [sflag:s23], s21  }
0x17: {  	s4 =	ssub.s32 $0x0, s21;
	[sflag:s23] =	ssyncset.done $0x0  }
0x18: {  	[sflag:s23] =	ssyncadd.s32 s4;
	_ =	sdelay $0x1  }
0x19: {  	s24 =	simm.s32 $0x1B8B  }
0x1a: {  	_ =	swait.ge [sflag:s24], $0x1  }
0x1b: {  	[sflag:s24] =	ssyncset.done $0x0  }
0x1c: {  	s26 =	simm.s32 $0x1B8E;
	s25 =	sld [smem:$0x3FFE];
	[sflag:s24] =	ssyncadd.s32 $0xFFFFFFFF  }
0x1d: {  	s27 =	simm.s32 $execute0_lowered;
	[smem:$0x3FD2] =	sst s26  }
0x1e: {  	s5 =	sshll.u32 s27, $0x1;
	_ =	strace $0x80000046;
	[dreg:$0x1] =	wrdreg $0xFFFFFFFF  }
0x1f: {  	s28 =	simm.s32 $_size_execute0_lowered;
	s3 =	sadd.s32 s3, s5;
	[dreg:$0x0] =	wrdreg $0x0  }
0x20: {  	s5 =	sshll.u32 s28, $0x1;
	[dreg:$0x2] =	wrdreg s3  }
0x21: {  	[dreg:$0x3] =	wrdreg s5  }
0x22: {  	[dreg:$0x4] =	wrdreg $0xC0  }
0x23: {  	_ =	task [dreg:s7], $0x5FFFF  }
0x24: {  	[dreg:$0x1] =	wrdreg $0xFFFFFFFF  }
0x25: {  	[dreg:$0x0] =	wrdreg $0x60  }
0x26: {  	[dreg:$0x2] =	wrdreg s25  }
0x27: {  	[dreg:$0x3] =	wrdreg s2  }
0x28: {  	[dreg:$0x4] =	wrdreg $0x9  }
0x29: {  	_ =	task.clear_ibuf [dreg:s7], $0x5FFFF;
	_ =	strace $0x90000046  }
0x2a: {  	s29 =	simm.s32 $0x9;
	_ =	strace $0x80000048  }
0x2b: {  	_ =	swait.ge [sflag:s29], $0x1  }
0x2c: {  	[sflag:s29] =	ssyncadd.s32 $0xFFFFFFFF  }
0x2d: {  	_ =	strace $0x90000048  }
0x2e: {  	_ =	sfence  }
0x2f: {  	s30 =	sld [smem:$0x0];
	_ =	sdelay $0x2  }
0x30: {  	s31 =	sshll.u32 s1, $0xD;
	s1 =	sshrl.u32 s1, $0x2  }
0x31: {  	s3 =	sand.u32 $0x4000, s31;
	s1 =	sadd.s32 s1, s30  }
0x32: {  	s0 =	sor.u32 s3, s0;
	s1 =	sshll.u32 s1, $0x11  }
0x33: {  	s0 =	sor.u32 s1, s0  }
0x34: {  	s0 =	sadd.s32 $0x8F2B, s0  }
0x35: {  	[sflag:s0] =	ssyncadd.remote.s32 $0x1  }
0x36: {  	_ =	sfence.sel $0xFFFF  }
0x37: {  	[dreg:$0x0] =	wrdreg $0xFFFFFFFF;
	(pc) =	sbr.abs _section_cstart, $3  }
0x38: {  	[dreg:$0x1] =	wrdreg $0xFFFFFFFF  }
0x39: {  	_ =	task.clear_ibuf [dreg:s7], $0x2FFFF;
	_ =	strace $0x9FFFFFFF  }
0x3a: {  	(tm) =	ssettm $0x7FFFFFFF  }
0x3b: {  	_ =	shalt  }
tec
execute0_lowered:
.L_overlay_start_1:
0x0: {  	(tag) =	ssettag $0x1  }
0x1: {  	s4 =	rddreg [dreg:$0x0]  }
0x2: {  	s0 =	stileid.u32;
	s2 =	rddreg [dreg:$0x1]  }
0x3: {  	s7 =	srdreg.scid;
	s8 =	simm.s32 $0x2;
	s16 =	simm.s32 $0x0  }
0x4: {  	s9 =	simm.s32 $0xC00;
	s10 =	simm.s32 $0x0;
	s1 =	sshll.u32 s0, $0x7  }
0x5: {  	s15 =	simm.s32 $0x0;
	s17 =	simm.s32 $0x0;
	s3 =	sand.u32 $0x380, s1  }
0x6: {  	s11 =	simm.s32 $0x0;
	s14 =	simm.s32 $0x0;
	s5 =	ssub.s32 $0x6200, s3  }
0x7: {  	s7 =	sshll.u32 s7, $0x4;
	s4 =	sadd.s32 $0x4E0000, s4;
	s6 =	sand.u32 $0x380, s5  }
0x8: {  	s1 =	rddreg [dreg:$0x2];
	p0 =	sne.s32 s6, $0x0;
	s6 =	simm.s32 $0x1  }
.Ltmp0:
0x9: {  	s5 =	sshrl.u32 s5, $0xA;
	s6 =	simm.s32 @!p0 $0x0;
	(pc) =	sbr.rel .LBB1_1-.Ltmp0, $4  }
0xa: {  	_ =	strace $0x80000047;
	s7 =	sand.u32 $0x10, s7;
	s6 =	sadd.s32 s6, s5  }
0xb: {  	s7 =	sor.u32 s0, s7;
	s5 =	simm.s32 $0x1;
	s6 =	smul.u32 $0x3, s6  }
0xc: {  	s13 =	smov.u32 s3;
	s7 =	sshrl.u32 s7, $0x3;
	[sflag:s5] =	ssyncpa.u1 $0x0  }
0xd: {  	s12 =	smov.u32 s7;
	[sflag:s8] =	ssyncpa.u1 $0x0;
	s8 =	sadd.s32 $0x1, s6  }
.LBB1_4:
0xe: {  	s21 =	sshrl.u32 s17, $0x3  }
0xf: {  	s22 =	sshll.u32 s16, $0x3;
	s21 =	smul.u32 $0xC00, s21  }
0x10: {  	s26 =	sshll.u32 s17, $0x7;
	s22 =	sand.u32 $0xFFFFFC00, s22  }
0x11: {  	s17 =	sand.u32 $0x380, s26;
	s21 =	sadd.s32 s21, s22  }
0x12: {  	[tilespmem:v0+s20+$0xFFFFFFD0 ss:$0x1] =	vst.idx.msk $0xffff, v6;
	s17 =	sor.u32 s17, s21  }
0x13: {  	v56 =	vld.idx.msk [tilespmem:v1+s19+$0x0 ss:$0x1], $0xffff;
	[tilespmem:v0+s20+$0xFFFFFFE0 ss:$0x1] =	vst.idx.msk $0xffff, v5;
	s21 =	smulhi.u32 $0xAAAAAAAB, s17  }
0x14: {  	v57 =	vld.idx.msk [tilespmem:v1+s19+$0xFFFFFF90 ss:$0x1], $0xffff;
	[tilespmem:v0+s20+$0xFFFFFFF0 ss:$0x1] =	vst.idx.msk $0xffff, v3  }
0x15: {  	v58 =	vld.idx.msk [tilespmem:v1+s19+$0xFFFFFFA0 ss:$0x1], $0xffff;
	[tilespmem:v0+s20+$0x0 ss:$0x1] =	vst.idx.msk $0xffff, v4;
	s27 =	sand.u32 $0x7F, s16;
	s21 =	sshrl.u32 s21, $0x8  }
0x16: {  	v59 =	vld.idx.msk [tilespmem:v1+s19+$0xFFFFFFB0 ss:$0x1], $0xffff;
	[tilespmem:v0+s20+$0x10 ss:$0x1] =	vst.idx.msk $0xffff, v2;
	s16 =	sor.u32 s27, s17;
	s28 =	smulhi.u32 $0x14E5E0B, s21  }
0x17: {  	v60 =	vld.idx.msk [tilespmem:v1+s19+$0xFFFFFFC0 ss:$0x1], $0xffff;
	[tilespmem:v0+s20+$0x20 ss:$0x1] =	vst.idx.msk $0xffff, v7;
	s29 =	smulhi.u32 $0xAAAAAAAB, s16  }
0x18: {  	v61 =	vld.idx.msk [tilespmem:v1+s19+$0xFFFFFFD0 ss:$0x1], $0xffff;
	[tilespmem:v0+s19+$0x30 ss:$0x1] =	vst.idx.msk $0xffff, v56;
	s17 =	sshrl.u32 s28, $0x7  }
0x19: {  	v62 =	vld.idx.msk [tilespmem:v1+s19+$0xFFFFFFE0 ss:$0x1], $0xffff;
	[tilespmem:v0+s19+$0xFFFFFFC0 ss:$0x1] =	vst.idx.msk $0xffff, v57;
	s20 =	sshrl.u32 s29, $0x8;
	s17 =	smul.u32 $0x6200, s17  }
0x1a: {  	v63 =	vld.idx.msk [tilespmem:v1+s19+$0xFFFFFFF0 ss:$0x1], $0xffff;
	[tilespmem:v0+s19+$0xFFFFFFD0 ss:$0x1] =	vst.idx.msk $0xffff, v58;
	s20 =	smul.u32 $0x180, s20  }
0x1b: {  	s15 =	smul.u32 $0x126000, s15;
	[tilespmem:v0+s19+$0xFFFFFFE0 ss:$0x1] =	vst.idx.msk $0xffff, v59;
	s17 =	ssub.s32 s21, s17  }
0x1c: {  	[tilespmem:v0+s19+$0xFFFFFFF0 ss:$0x1] =	vst.idx.msk $0xffff, v60;
	s16 =	ssub.s32 s16, s20;
	s17 =	smul.u32 $0x30, s17  }
0x1d: {  	s15 =	sadd.s32 s2, s15;
	[tilespmem:v0+s19+$0x0 ss:$0x1] =	vst.idx.msk $0xffff, v61;
	s20 =	sand.u32 $0x7, s16  }
0x1e: {  	[tilespmem:v0+s19+$0x10 ss:$0x1] =	vst.idx.msk $0xffff, v62;
	s16 =	sshrl.u32 s16, $0x3;
	s30 =	sshll.u32 s20, $0x12;
	s15 =	sadd.s32 s17, s15  }
0x1f: {  	[tilespmem:v0+s19+$0x20 ss:$0x1] =	vst.idx.msk $0xffff, v63;
	s31 =	sor.u32 $0x400, s30;
	s15 =	sadd.s32 s16, s15  }
0x20: {  	[hbm4b:s15+s31] =	stream.strided.scatter [tilespmem:s18], [sflag:$0x2], $0x4000, s9, s31, $0x38;
	[tilespmem:$0x10000] =	vst v63  }
.LBB1_5:
0x21: {  	s18 =	sadd.s32 $0x80, s11  }
0x22: {  	s15 =	sadd.s32 $0x4, s12;
	s19 =	smov.u32 s12;
	p1 =	sgt.s32 s18, $0x17F  }
0x23: {  	s19 =	smov.u32 @p1 s15  }
0x24: {  	s21 =	smov.u32 s13;
	s15 =	sadd.s32 $0x400, s13;
	p2 =	sgt.s32 s19, $0x3  }
0x25: {  	s21 =	smov.u32 @p2 s15  }
0x26: {  	s18 =	simm.s32 @p1 $0x0;
	p1 =	sgt.s32 s21, $0x61FF  }
0x27: {  	p0 =	slt.u32 s14, $0x2;
	s21 =	smov.u32 @p1 s3;
	p1 =	sne.s32 s14, s8  }
.Ltmp1:
0x28: {  	s20 =	simm.s32 @!p0 $0x2;
	(pc) =	sbr.rel @!p1 .LBB1_6-.Ltmp1, $4  }
0x29: {  	s16 =	smov.u32 s11;
	s17 =	smov.u32 s13;
	_ =	swait.ge @!p0 [sflag:s20], $0x4000  }
0x2a: {  	s10 =	sadd.s32 $0x4000, s10;
	[sflag:s20] =	ssyncset.done @!p0 $0x0;
	s11 =	smov.u32 s18  }
0x2b: {  	s19 =	smov.u32 @p2 s7;
	s15 =	smov.u32 s12;
	[sflag:s20] =	ssyncadd.s32 @!p0 $0xFFFFC000  }
0x2c: {  	s12 =	smov.u32 s19;
	s14 =	sadd.s32 $0x1, s14;
	s13 =	smov.u32 s21  }
.LBB1_1:
0x2d: {  	p0 =	sge.u32 s14, s6  }
0x2e: {  	s18 =	sshrl.u32 @!p0 s12, $0x2  }
0x2f: {  	s19 =	sshll.u32 @!p0 s11, $0x2;
	s18 =	smul.u32 @!p0 $0x600, s18  }
0x30: {  	s20 =	sshll.u32 @!p0 s12, $0x7;
	s19 =	sand.u32 @!p0 $0xFFFFFE00, s19  }
0x31: {  	s18 =	sadd.s32 @!p0 s18, s19;
	s19 =	sand.u32 @!p0 $0x180, s20  }
0x32: {  	s20 =	sand.u32 @!p0 $0x7F, s11;
	s18 =	sor.u32 @!p0 s19, s18  }
0x33: {  	s19 =	sor.u32 @!p0 s20, s18  }
0x34: {  	s20 =	smulhi.u32 @!p0 $0xAAAAAAAB, s19  }
0x35: {  	s18 =	smulhi.u32 @!p0 $0xAAAAAAAB, s18  }
0x36: {  	s20 =	sshrl.u32 @!p0 s20, $0x8  }
0x37: {  	s31 =	sadd.s32 $0xFFFFFFFF, s14;
	s18 =	sshrl.u32 @!p0 s18, $0x8;
	s20 =	smul.u32 @!p0 $0x180, s20  }
0x38: {  	s21 =	sxor.u32 @!p0 $0xFFFFFFFF, s14;
	s22 =	smul.u32 @!p0 $0xC0, s13;
	s18 =	sand.u32 @!p0 $0x3, s18  }
0x39: {  	s21 =	sshll.u32 @!p0 s21, $0xE;
	s18 =	smul.u32 @!p0 $0x30, s18;
	s19 =	ssub.s32 @!p0 s19, s20  }
0x3a: {  	s20 =	sand.u32 @!p0 $0x4000, s21;
	s21 =	sadd.s32 @!p0 s4, s22;
	s22 =	sand.u32 @!p0 $0x7, s19  }
0x3b: {  	s19 =	sshrl.u32 @!p0 s19, $0x3;
	s18 =	sadd.s32 @!p0 s18, s21;
	s21 =	sshll.u32 @!p0 s22, $0x12  }
0x3c: {  	s18 =	sadd.s32 @!p0 s19, s18;
	s19 =	sor.u32 @!p0 $0x80, s21;
	s21 =	simm.s32 @!p0 $0x600  }
0x3d: {  	[tilespmem:s20], [sflag:$0x1] =	stream.strided.gather @!p0 [hbm4b:s18+s19], $0x4000, s21, s19, $0x38;
	[tilespmem:$0x10000] =	vst v63  }
0x3e: {  	p0 =	sge.u32 s31, s6  }
.Ltmp2:
0x3f: {  	_ = 	snop;
	(pc) =	sbr.rel @p0 .LBB1_5-.Ltmp2, $1  }
0x40: {  	_ =	sdelay $0x3  }
0x41: {  	s18 =	sand.u32 $0x4000, s10  }
0x42: {  	s19 =	sor.u32 $0x70, s18  }
0x43: {  	v1 =	vmov s19;
	_ =	sdelay $0x1  }
0x44: {  	_ =	swait.ge [sflag:s5], $0x4000  }
0x45: {  	[sflag:s5] =	ssyncset.done $0x0  }
0x46: {  	s20 =	simm.s32 $0x0;
	[sflag:s5] =	ssyncadd.s32 $0xFFFFC000  }
0x47: {  	s18 =	sor.u32 $0x8040, s18;
	v7 =	vld.idx.msk [tilespmem:v1+s20+$0x0 ss:$0x1], $0xffff  }
0x48: {  	v0 =	vmov s18;
	v8 =	vld.idx.msk [tilespmem:v1+s20+$0xFFFFFF90 ss:$0x1], $0xffff  }
0x49: {  	v6 =	vld.idx.msk [tilespmem:v1+s20+$0xFFFFFFA0 ss:$0x1], $0xffff  }
0x4a: {  	v5 =	vld.idx.msk [tilespmem:v1+s20+$0xFFFFFFB0 ss:$0x1], $0xffff  }
0x4b: {  	v3 =	vld.idx.msk [tilespmem:v1+s20+$0xFFFFFFC0 ss:$0x1], $0xffff  }
0x4c: {  	s31 =	sshll.u32 s14, $0xE;
	v4 =	vld.idx.msk [tilespmem:v1+s20+$0xFFFFFFD0 ss:$0x1], $0xffff  }
0x4d: {  	s18 =	sand.u32 $0x4000, s31;
	v2 =	vld.idx.msk [tilespmem:v1+s20+$0xFFFFFFE0 ss:$0x1], $0xffff;
	[tilespmem:v0+s20+$0x30 ss:$0x1] =	vst.idx.msk $0xffff, v7  }
0x4e: {  	s21 =	simm.s32 $0x400;
	s19 =	simm.s32 $0x80;
	s18 =	sor.u32 $0x8000, s18;
	[tilespmem:v0+s20+$0xFFFFFFC0 ss:$0x1] =	vst.idx.msk $0xffff, v8;
	v7 =	vld.idx.msk [tilespmem:v1+s20+$0xFFFFFFF0 ss:$0x1], $0xffff  }
.LBB1_3:
0x4f: {  	p0 =	sne.s32 s21, $0xFE00;
	v8 =	vld.idx.msk [tilespmem:v1+s19+$0x0 ss:$0x1], $0xffff;
	[tilespmem:v0+s20+$0xFFFFFFD0 ss:$0x1] =	vst.idx.msk $0xffff, v6  }
0x50: {  	v9 =	vld.idx.msk [tilespmem:v1+s19+$0xFFFFFF90 ss:$0x1], $0xffff;
	[tilespmem:v0+s20+$0xFFFFFFE0 ss:$0x1] =	vst.idx.msk $0xffff, v5  }
0x51: {  	v6 =	vld.idx.msk [tilespmem:v1+s19+$0xFFFFFFA0 ss:$0x1], $0xffff;
	[tilespmem:v0+s20+$0xFFFFFFF0 ss:$0x1] =	vst.idx.msk $0xffff, v3  }
.Ltmp3:
0x52: {  	v5 =	vld.idx.msk [tilespmem:v1+s19+$0xFFFFFFB0 ss:$0x1], $0xffff;
	[tilespmem:v0+s20+$0x0 ss:$0x1] =	vst.idx.msk $0xffff, v4;
	(pc) =	sbr.rel @p0 .LBB1_3-.Ltmp3, $4  }
0x53: {  	v3 =	vld.idx.msk [tilespmem:v1+s19+$0xFFFFFFC0 ss:$0x1], $0xffff;
	[tilespmem:v0+s20+$0x10 ss:$0x1] =	vst.idx.msk $0xffff, v2  }
0x54: {  	v4 =	vld.idx.msk [tilespmem:v1+s19+$0xFFFFFFD0 ss:$0x1], $0xffff;
	[tilespmem:v0+s20+$0x20 ss:$0x1] =	vst.idx.msk $0xffff, v7;
	s20 =	smov.u32 s19  }
0x55: {  	v2 =	vld.idx.msk [tilespmem:v1+s20+$0xFFFFFFE0 ss:$0x1], $0xffff;
	[tilespmem:v0+s20+$0x30 ss:$0x1] =	vst.idx.msk $0xffff, v8  }
0x56: {  	s19 =	sshra.s32 s21, $0x2;
	s21 =	sadd.s32 $0x200, s21;
	[tilespmem:v0+s20+$0xFFFFFFC0 ss:$0x1] =	vst.idx.msk $0xffff, v9;
	v7 =	vld.idx.msk [tilespmem:v1+s20+$0xFFFFFFF0 ss:$0x1], $0xffff  }
.Ltmp4:
0x57: {  	_ = 	snop;
	(pc) =	sbr.rel .LBB1_4-.Ltmp4, $1  }
0x58: {  	_ =	sdelay $0x3  }
.LBB1_6:
0x59: {  	_ =	sfence.sel $0x180000  }
0x5a: {  	s2 =	simm.s32 $0x1;
	[bflag:$0x0] =	sbarrier.arrive $0xFFFF  }
0x5b: {  	s31 =	simm.s32 $0x2;
	[sflag:s2] =	ssyncpa.u1 $0x1  }
0x5c: {  	[sflag:s31] =	ssyncpa.u1 $0x1  }
0x5d: {  	p0 =	sne.s32 s0, $0x0;
	_ =	strace $0x90000047  }
0x5e: {  	s0 =	sadd.s32 @!p0 $0x100000, s1;
	[bflag:$0x2] =	sbarrier.arrive $0xFFFF  }
0x5f: {  	[sflag:s0] =	ssyncadd.tile.s32 @!p0 $0x1;
	_ =	shalt  }
.Lfunc_end1:
_tile_overlayer_lowered:
.L_overlay_start_2:
0x60: {  	(tag) =	ssettag $0x2  }
0x61: {  	s0 =	rddreg [dreg:$0x0];
	s2 =	stileid.u32  }
0x62: {  	s1 =	rddreg [dreg:$0x1];
	p0 =	sne.s32 s2, $0x0  }
0x63: {  	s3 =	rddreg [dreg:$0x2];
	[bflag:$0x3] =	sbarrier.arrive $0xFFFF;
	s2 =	simm.s32 @!p0 $0x1C01  }
0x64: {  	[timem:s3], [sflag:s2] =	dma.local @!p0 [hbm:s0], s1  }
0x65: {  	s0 =	simm.s32 @!p0 $0x1  }
0x66: {  	_ =	swait.ge @!p0 [sflag:s0], s1  }
0x67: {  	s1 =	ssub.s32 @!p0 $0x0, s1;
	[sflag:s0] =	ssyncset.done @!p0 $0x0  }
0x68: {  	[sflag:s0] =	ssyncadd.s32 @!p0 s1  }
0x69: {  	[bflag:$0x3] =	sbarrier.arrive $0xFFFF  }
0x6a: {  	_ =	shalt  }

</sc_bundles>
